<compile_context>
chip_gen: v7x
topology: tpu7x:2x2x1
jax: 0.10.2.dev20260603
libtpu: 0.0.44.dev20260713+nightly
codegen_flags: <defaults>
</compile_context>

<pallas_src>
import functools
import jax
import jax.numpy as jnp
from jax import lax
from jax.experimental import pallas as pl
from jax.experimental.pallas import tpu as pltpu
from jax.experimental.pallas import tpu_sc as plsc

NC = 2
NS = 16
NW = NC * NS

D_MODEL = 2048
N_ROWS = 4
ROW_LEN = 4096
B_PER_W = N_ROWS * ROW_LEN // NW
W_PER_ROW = ROW_LEN // B_PER_W
CHUNK = 8
N_CHUNKS = B_PER_W // CHUNK
NB = 6


def _make_gather():
  mesh = plsc.VectorSubcoreMesh(
      core_axis_name="c", subcore_axis_name="s",
      num_cores=NC, num_subcores=NS)

  @functools.partial(
      pl.kernel,
      out_type=jax.ShapeDtypeStruct((N_ROWS, ROW_LEN, D_MODEL),
                                    jnp.float32),
      mesh=mesh,
      scratch_types=[
          pltpu.VMEM((B_PER_W,), jnp.int32),
          pltpu.VMEM((NB, CHUNK, D_MODEL), jnp.float32),
          pltpu.SemaphoreType.DMA((NB,)),
      ],
  )
  def gather_kernel(idx_hbm, table_hbm, out_hbm, idx_v, bufs, gsem):
    wid = lax.axis_index("s") * NC + lax.axis_index("c")
    row = wid // W_PER_ROW
    col0 = (wid % W_PER_ROW) * B_PER_W
    pltpu.sync_copy(idx_hbm.at[row, pl.ds(col0, B_PER_W)], idx_v)

    def gather(c, b):
      return pltpu.make_async_copy(
          table_hbm.at[idx_v.at[pl.ds(c * CHUNK, CHUNK)]],
          bufs.at[b], gsem.at[b])

    for b in range(NB):
      gather(b, b).start()

    @pl.loop(0, N_CHUNKS)
    def _(c):
      b = lax.rem(c, NB)
      gather(c, b).wait()
      pltpu.sync_copy(bufs.at[b],
                      out_hbm.at[row, pl.ds(col0 + c * CHUNK, CHUNK)])

      @pl.when(c + NB < N_CHUNKS)
      def _():
        gather(c + NB, b).start()

  return gather_kernel


_gather = _make_gather()


@jax.jit
def kernel(tokens, W_E):
  return _gather(tokens.astype(jnp.int32), W_E)

# --- scband reference (transcript-rebuilt; emitter-appended) ---
"""Pipeline reference for scband-embedding-54314156425485 (READ-ONLY COPY).

The authoritative reference and input builder live on the scoring server;
editing this copy changes nothing except your own understanding.
"""

import jax, jax.numpy as jnp
import numpy as np

D_VOCAB = 100000
D_MODEL = 2048
INIT_RANGE = 0.02

def setup_inputs(seed: int = 0) -> dict:
    key = jax.random.key(seed)
    k_tok, k_w = jax.random.split(key)
    tokens = jax.random.randint(k_tok, (4, 4096), 0, D_VOCAB, dtype=jnp.int64 if jax.config.jax_enable_x64 else jnp.int32)
    W_E = jax.random.normal(k_w, (D_VOCAB, D_MODEL), dtype=jnp.float32) * INIT_RANGE
    return {"tokens": tokens, "W_E": W_E}

def reference(tokens, W_E):
    # Faithful translation of: return self.W_E[tokens, :]
    return jnp.take(W_E, tokens, axis=0)

if __name__ == "__main__":
    import jax
    _d = setup_inputs()
    print(jax.jit(kernel)(*tuple(_d.values())))

</pallas_src>

<mosaic_0001>
#map = affine_map<(d0, d1) -> (0, 0)>
#map1 = affine_map<(d0, d1) -> (0, 0, 0)>
module attributes {stable_mosaic.version = 14 : i64} {
  func.func @gather_kernel(%arg0: i32, %arg1: i32, %arg2: memref<4x4096xi32, #tpu.memory_space<hbm>>, %arg3: memref<100000x2048xf32, #tpu.memory_space<hbm>>, %arg4: memref<4x4096x2048xf32, #tpu.memory_space<hbm>>, %arg5: memref<512xi32, #tpu.memory_space<vmem>>, %arg6: memref<6x8x2048xf32, #tpu.memory_space<vmem>>, %arg7: memref<6x!tpu.dma_semaphore, #tpu.memory_space<semaphore_mem>>) attributes {dimension_semantics = [#tpu.dimension_semantics<core_parallel>, #tpu.dimension_semantics<subcore_parallel>], iteration_bounds = array<i64: 2, 16>, scalar_prefetch = 0 : i64, scratch_operands = 3 : i64, tpu.core_type = #tpu.core_type<sc_vector_subcore>, window_params = [{transform_indices = #map}, {transform_indices = #map}, {transform_indices = #map1}]} {
    %mul3A = arith.constant 2 : i32
    %mul3A_0 = arith.muli %arg1, %mul3A : i32
    %add3A = arith.addi %mul3A_0, %arg0 : i32
    %jit3A = arith.constant 8 : i32
    %div3A = arith.divsi %add3A, %jit3A : i32
    %sign3A = arith.constant 0 : i32
    %sign3A_1 = arith.cmpi sgt, %add3A, %sign3A : i32
    %sign3A_2 = arith.extui %sign3A_1 : i1 to i32
    %sign3A_3 = arith.constant 0 : i32
    %sign3A_4 = arith.cmpi slt, %add3A, %sign3A_3 : i32
    %sign3A_5 = arith.extui %sign3A_4 : i1 to i32
    %sign3A_6 = arith.subi %sign3A_2, %sign3A_5 : i32
    %sign3A_7 = arith.constant 0 : i32
    %sign3A_8 = arith.cmpi sgt, %jit3A, %sign3A_7 : i32
    %sign3A_9 = arith.extui %sign3A_8 : i1 to i32
    %sign3A_10 = arith.constant 0 : i32
    %sign3A_11 = arith.cmpi slt, %jit3A, %sign3A_10 : i32
    %sign3A_12 = arith.extui %sign3A_11 : i1 to i32
    %sign3A_13 = arith.subi %sign3A_9, %sign3A_12 : i32
    %ne3A = arith.cmpi ne, %sign3A_6, %sign3A_13 : i32
    %rem3A = arith.remsi %add3A, %jit3A : i32
    %ne3A_14 = arith.constant 0 : i32
    %ne3A_15 = arith.cmpi ne, %rem3A, %ne3A_14 : i32
    %and3A = arith.andi %ne3A, %ne3A_15 : i1
    %sub3A = arith.constant 1 : i32
    %sub3A_16 = arith.subi %div3A, %sub3A : i32
    %select_n3A = arith.select %and3A, %sub3A_16, %div3A : i32
    %jit3A_17 = arith.constant 8 : i32
    %eq3A = arith.constant 0 : i32
    %eq3A_18 = arith.cmpi eq, %jit3A_17, %eq3A : i32
    %jit3A_19 = arith.constant 1 : i32
    %select_n3A_20 = arith.select %eq3A_18, %jit3A_19, %jit3A_17 : i32
    %rem3A_21 = arith.remsi %add3A, %select_n3A_20 : i32
    %ne3A_22 = arith.constant 0 : i32
    %ne3A_23 = arith.cmpi ne, %rem3A_21, %ne3A_22 : i32
    %lt3A = arith.constant 0 : i32
    %lt3A_24 = arith.cmpi slt, %rem3A_21, %lt3A : i32
    %lt3A_25 = arith.constant 0 : i32
    %lt3A_26 = arith.cmpi slt, %select_n3A_20, %lt3A_25 : i32
    %ne3A_27 = arith.xori %lt3A_24, %lt3A_26 : i1
    %and3A_28 = arith.andi %ne3A_27, %ne3A_23 : i1
    %add3A_29 = arith.addi %rem3A_21, %select_n3A_20 : i32
    %select_n3A_30 = arith.select %and3A_28, %add3A_29, %rem3A_21 : i32
    %mul3A_31 = arith.constant 512 : i32
    %mul3A_32 = arith.muli %select_n3A_30, %mul3A_31 : i32
    "tpu.region"() ({
      %run_scoped3A = tpu.sem_alloc : memref<!tpu.dma_semaphore, #tpu.memory_space<semaphore_mem>>
      %dma_start3A_114 = tpu.memref_slice %arg2[%select_n3A, %mul3A_32] : memref<4x4096xi32, #tpu.memory_space<hbm>> -> memref<1x512xi32, #tpu.memory_space<hbm>>
      %dma_start3A_115 = tpu.memref_squeeze %dma_start3A_114 : memref<1x512xi32, #tpu.memory_space<hbm>> -> memref<512xi32, #tpu.memory_space<hbm>>
      %dma_start3A_116 = tpu.memref_slice %arg2[%select_n3A, %mul3A_32] : memref<4x4096xi32, #tpu.memory_space<hbm>> -> memref<1x512xi32, #tpu.memory_space<hbm>>
      %dma_start3A_117 = tpu.memref_squeeze %dma_start3A_116 : memref<1x512xi32, #tpu.memory_space<hbm>> -> memref<512xi32, #tpu.memory_space<hbm>>
      tpu.enqueue_dma source(%dma_start3A_117 : memref<512xi32, #tpu.memory_space<hbm>>) target(%arg5 : memref<512xi32, #tpu.memory_space<vmem>>) target_semaphore(%run_scoped3A : memref<!tpu.dma_semaphore, #tpu.memory_space<semaphore_mem>>)
      %dma_wait3A = tpu.memref_slice %arg2[%select_n3A, %mul3A_32] : memref<4x4096xi32, #tpu.memory_space<hbm>> -> memref<1x512xi32, #tpu.memory_space<hbm>>
      %dma_wait3A_118 = tpu.memref_squeeze %dma_wait3A : memref<1x512xi32, #tpu.memory_space<hbm>> -> memref<512xi32, #tpu.memory_space<hbm>>
      %dma_wait3A_119 = tpu.memref_slice %arg2[%select_n3A, %mul3A_32] : memref<4x4096xi32, #tpu.memory_space<hbm>> -> memref<1x512xi32, #tpu.memory_space<hbm>>
      %dma_wait3A_120 = tpu.memref_squeeze %dma_wait3A_119 : memref<1x512xi32, #tpu.memory_space<hbm>> -> memref<512xi32, #tpu.memory_space<hbm>>
      tpu.wait_dma2 semaphore(%run_scoped3A : memref<!tpu.dma_semaphore, #tpu.memory_space<semaphore_mem>>) src(%dma_wait3A_120 : memref<512xi32, #tpu.memory_space<hbm>>) dst(%arg5 : memref<512xi32, #tpu.memory_space<vmem>>)
      tpu.yield
    }) : () -> ()
    %dma_start3A = arith.constant 0 : i32
    %dma_start3A_33 = arith.constant 0 : i32
    %dma_start3A_34 = arith.constant 0 : i32
    %dma_start3A_35 = arith.constant 0 : i32
    %dma_start3A_36 = tpu.memref_slice %arg6[%dma_start3A, %dma_start3A_34, %dma_start3A_35] : memref<6x8x2048xf32, #tpu.memory_space<vmem>> -> memref<1x8x2048xf32, #tpu.memory_space<vmem>>
    %dma_start3A_37 = tpu.memref_squeeze %dma_start3A_36 : memref<1x8x2048xf32, #tpu.memory_space<vmem>> -> memref<8x2048xf32, #tpu.memory_space<vmem>>
    %dma_start3A_38 = arith.constant 0 : i32
    %dma_start3A_39 = tpu.memref_slice %arg5[%dma_start3A_38] : memref<512xi32, #tpu.memory_space<vmem>> -> memref<8xi32, #tpu.memory_space<vmem>>
    %dma_start3A_40 = arith.constant 0 : i32
    %dma_start3A_41 = arith.constant 0 : i32
    %dma_start3A_42 = tpu.memref_slice %arg3[%dma_start3A_40, %dma_start3A_41] : memref<100000x2048xf32, #tpu.memory_space<hbm>> -> memref<100000x2048xf32, #tpu.memory_space<hbm>>
    %dma_start3A_43 = tpu.memref_slice %arg7[%dma_start3A_33] : memref<6x!tpu.dma_semaphore, #tpu.memory_space<semaphore_mem>> -> memref<1x!tpu.dma_semaphore, #tpu.memory_space<semaphore_mem>>
    %dma_start3A_44 = tpu.memref_squeeze %dma_start3A_43 : memref<1x!tpu.dma_semaphore, #tpu.memory_space<semaphore_mem>> -> memref<!tpu.dma_semaphore, #tpu.memory_space<semaphore_mem>>
    tpu.enqueue_indirect_dma source(%dma_start3A_42 : memref<100000x2048xf32, #tpu.memory_space<hbm>>) target(%dma_start3A_37 : memref<8x2048xf32, #tpu.memory_space<vmem>>) offsets(%dma_start3A_39 : memref<8xi32, #tpu.memory_space<vmem>>) semaphore(%dma_start3A_44 : memref<!tpu.dma_semaphore, #tpu.memory_space<semaphore_mem>>)
    %dma_start3A_45 = arith.constant 1 : i32
    %dma_start3A_46 = arith.constant 1 : i32
    %dma_start3A_47 = arith.constant 0 : i32
    %dma_start3A_48 = arith.constant 0 : i32
    %dma_start3A_49 = tpu.memref_slice %arg6[%dma_start3A_45, %dma_start3A_47, %dma_start3A_48] : memref<6x8x2048xf32, #tpu.memory_space<vmem>> -> memref<1x8x2048xf32, #tpu.memory_space<vmem>>
    %dma_start3A_50 = tpu.memref_squeeze %dma_start3A_49 : memref<1x8x2048xf32, #tpu.memory_space<vmem>> -> memref<8x2048xf32, #tpu.memory_space<vmem>>
    %dma_start3A_51 = arith.constant 8 : i32
    %dma_start3A_52 = tpu.memref_slice %arg5[%dma_start3A_51] : memref<512xi32, #tpu.memory_space<vmem>> -> memref<8xi32, #tpu.memory_space<vmem>>
    %dma_start3A_53 = arith.constant 0 : i32
    %dma_start3A_54 = arith.constant 0 : i32
    %dma_start3A_55 = tpu.memref_slice %arg3[%dma_start3A_53, %dma_start3A_54] : memref<100000x2048xf32, #tpu.memory_space<hbm>> -> memref<100000x2048xf32, #tpu.memory_space<hbm>>
    %dma_start3A_56 = tpu.memref_slice %arg7[%dma_start3A_46] : memref<6x!tpu.dma_semaphore, #tpu.memory_space<semaphore_mem>> -> memref<1x!tpu.dma_semaphore, #tpu.memory_space<semaphore_mem>>
    %dma_start3A_57 = tpu.memref_squeeze %dma_start3A_56 : memref<1x!tpu.dma_semaphore, #tpu.memory_space<semaphore_mem>> -> memref<!tpu.dma_semaphore, #tpu.memory_space<semaphore_mem>>
    tpu.enqueue_indirect_dma source(%dma_start3A_55 : memref<100000x2048xf32, #tpu.memory_space<hbm>>) target(%dma_start3A_50 : memref<8x2048xf32, #tpu.memory_space<vmem>>) offsets(%dma_start3A_52 : memref<8xi32, #tpu.memory_space<vmem>>) semaphore(%dma_start3A_57 : memref<!tpu.dma_semaphore, #tpu.memory_space<semaphore_mem>>)
    %dma_start3A_58 = arith.constant 2 : i32
    %dma_start3A_59 = arith.constant 2 : i32
    %dma_start3A_60 = arith.constant 0 : i32
    %dma_start3A_61 = arith.constant 0 : i32
    %dma_start3A_62 = tpu.memref_slice %arg6[%dma_start3A_58, %dma_start3A_60, %dma_start3A_61] : memref<6x8x2048xf32, #tpu.memory_space<vmem>> -> memref<1x8x2048xf32, #tpu.memory_space<vmem>>
    %dma_start3A_63 = tpu.memref_squeeze %dma_start3A_62 : memref<1x8x2048xf32, #tpu.memory_space<vmem>> -> memref<8x2048xf32, #tpu.memory_space<vmem>>
    %dma_start3A_64 = arith.constant 16 : i32
    %dma_start3A_65 = tpu.memref_slice %arg5[%dma_start3A_64] : memref<512xi32, #tpu.memory_space<vmem>> -> memref<8xi32, #tpu.memory_space<vmem>>
    %dma_start3A_66 = arith.constant 0 : i32
    %dma_start3A_67 = arith.constant 0 : i32
    %dma_start3A_68 = tpu.memref_slice %arg3[%dma_start3A_66, %dma_start3A_67] : memref<100000x2048xf32, #tpu.memory_space<hbm>> -> memref<100000x2048xf32, #tpu.memory_space<hbm>>
    %dma_start3A_69 = tpu.memref_slice %arg7[%dma_start3A_59] : memref<6x!tpu.dma_semaphore, #tpu.memory_space<semaphore_mem>> -> memref<1x!tpu.dma_semaphore, #tpu.memory_space<semaphore_mem>>
    %dma_start3A_70 = tpu.memref_squeeze %dma_start3A_69 : memref<1x!tpu.dma_semaphore, #tpu.memory_space<semaphore_mem>> -> memref<!tpu.dma_semaphore, #tpu.memory_space<semaphore_mem>>
    tpu.enqueue_indirect_dma source(%dma_start3A_68 : memref<100000x2048xf32, #tpu.memory_space<hbm>>) target(%dma_start3A_63 : memref<8x2048xf32, #tpu.memory_space<vmem>>) offsets(%dma_start3A_65 : memref<8xi32, #tpu.memory_space<vmem>>) semaphore(%dma_start3A_70 : memref<!tpu.dma_semaphore, #tpu.memory_space<semaphore_mem>>)
    %dma_start3A_71 = arith.constant 3 : i32
    %dma_start3A_72 = arith.constant 3 : i32
    %dma_start3A_73 = arith.constant 0 : i32
    %dma_start3A_74 = arith.constant 0 : i32
    %dma_start3A_75 = tpu.memref_slice %arg6[%dma_start3A_71, %dma_start3A_73, %dma_start3A_74] : memref<6x8x2048xf32, #tpu.memory_space<vmem>> -> memref<1x8x2048xf32, #tpu.memory_space<vmem>>
    %dma_start3A_76 = tpu.memref_squeeze %dma_start3A_75 : memref<1x8x2048xf32, #tpu.memory_space<vmem>> -> memref<8x2048xf32, #tpu.memory_space<vmem>>
    %dma_start3A_77 = arith.constant 24 : i32
    %dma_start3A_78 = tpu.memref_slice %arg5[%dma_start3A_77] : memref<512xi32, #tpu.memory_space<vmem>> -> memref<8xi32, #tpu.memory_space<vmem>>
    %dma_start3A_79 = arith.constant 0 : i32
    %dma_start3A_80 = arith.constant 0 : i32
    %dma_start3A_81 = tpu.memref_slice %arg3[%dma_start3A_79, %dma_start3A_80] : memref<100000x2048xf32, #tpu.memory_space<hbm>> -> memref<100000x2048xf32, #tpu.memory_space<hbm>>
    %dma_start3A_82 = tpu.memref_slice %arg7[%dma_start3A_72] : memref<6x!tpu.dma_semaphore, #tpu.memory_space<semaphore_mem>> -> memref<1x!tpu.dma_semaphore, #tpu.memory_space<semaphore_mem>>
    %dma_start3A_83 = tpu.memref_squeeze %dma_start3A_82 : memref<1x!tpu.dma_semaphore, #tpu.memory_space<semaphore_mem>> -> memref<!tpu.dma_semaphore, #tpu.memory_space<semaphore_mem>>
    tpu.enqueue_indirect_dma source(%dma_start3A_81 : memref<100000x2048xf32, #tpu.memory_space<hbm>>) target(%dma_start3A_76 : memref<8x2048xf32, #tpu.memory_space<vmem>>) offsets(%dma_start3A_78 : memref<8xi32, #tpu.memory_space<vmem>>) semaphore(%dma_start3A_83 : memref<!tpu.dma_semaphore, #tpu.memory_space<semaphore_mem>>)
    %dma_start3A_84 = arith.constant 4 : i32
    %dma_start3A_85 = arith.constant 4 : i32
    %dma_start3A_86 = arith.constant 0 : i32
    %dma_start3A_87 = arith.constant 0 : i32
    %dma_start3A_88 = tpu.memref_slice %arg6[%dma_start3A_84, %dma_start3A_86, %dma_start3A_87] : memref<6x8x2048xf32, #tpu.memory_space<vmem>> -> memref<1x8x2048xf32, #tpu.memory_space<vmem>>
    %dma_start3A_89 = tpu.memref_squeeze %dma_start3A_88 : memref<1x8x2048xf32, #tpu.memory_space<vmem>> -> memref<8x2048xf32, #tpu.memory_space<vmem>>
    %dma_start3A_90 = arith.constant 32 : i32
    %dma_start3A_91 = tpu.memref_slice %arg5[%dma_start3A_90] : memref<512xi32, #tpu.memory_space<vmem>> -> memref<8xi32, #tpu.memory_space<vmem>>
    %dma_start3A_92 = arith.constant 0 : i32
    %dma_start3A_93 = arith.constant 0 : i32
    %dma_start3A_94 = tpu.memref_slice %arg3[%dma_start3A_92, %dma_start3A_93] : memref<100000x2048xf32, #tpu.memory_space<hbm>> -> memref<100000x2048xf32, #tpu.memory_space<hbm>>
    %dma_start3A_95 = tpu.memref_slice %arg7[%dma_start3A_85] : memref<6x!tpu.dma_semaphore, #tpu.memory_space<semaphore_mem>> -> memref<1x!tpu.dma_semaphore, #tpu.memory_space<semaphore_mem>>
    %dma_start3A_96 = tpu.memref_squeeze %dma_start3A_95 : memref<1x!tpu.dma_semaphore, #tpu.memory_space<semaphore_mem>> -> memref<!tpu.dma_semaphore, #tpu.memory_space<semaphore_mem>>
    tpu.enqueue_indirect_dma source(%dma_start3A_94 : memref<100000x2048xf32, #tpu.memory_space<hbm>>) target(%dma_start3A_89 : memref<8x2048xf32, #tpu.memory_space<vmem>>) offsets(%dma_start3A_91 : memref<8xi32, #tpu.memory_space<vmem>>) semaphore(%dma_start3A_96 : memref<!tpu.dma_semaphore, #tpu.memory_space<semaphore_mem>>)
    %dma_start3A_97 = arith.constant 5 : i32
    %dma_start3A_98 = arith.constant 5 : i32
    %dma_start3A_99 = arith.constant 0 : i32
    %dma_start3A_100 = arith.constant 0 : i32
    %dma_start3A_101 = tpu.memref_slice %arg6[%dma_start3A_97, %dma_start3A_99, %dma_start3A_100] : memref<6x8x2048xf32, #tpu.memory_space<vmem>> -> memref<1x8x2048xf32, #tpu.memory_space<vmem>>
    %dma_start3A_102 = tpu.memref_squeeze %dma_start3A_101 : memref<1x8x2048xf32, #tpu.memory_space<vmem>> -> memref<8x2048xf32, #tpu.memory_space<vmem>>
    %dma_start3A_103 = arith.constant 40 : i32
    %dma_start3A_104 = tpu.memref_slice %arg5[%dma_start3A_103] : memref<512xi32, #tpu.memory_space<vmem>> -> memref<8xi32, #tpu.memory_space<vmem>>
    %dma_start3A_105 = arith.constant 0 : i32
    %dma_start3A_106 = arith.constant 0 : i32
    %dma_start3A_107 = tpu.memref_slice %arg3[%dma_start3A_105, %dma_start3A_106] : memref<100000x2048xf32, #tpu.memory_space<hbm>> -> memref<100000x2048xf32, #tpu.memory_space<hbm>>
    %dma_start3A_108 = tpu.memref_slice %arg7[%dma_start3A_98] : memref<6x!tpu.dma_semaphore, #tpu.memory_space<semaphore_mem>> -> memref<1x!tpu.dma_semaphore, #tpu.memory_space<semaphore_mem>>
    %dma_start3A_109 = tpu.memref_squeeze %dma_start3A_108 : memref<1x!tpu.dma_semaphore, #tpu.memory_space<semaphore_mem>> -> memref<!tpu.dma_semaphore, #tpu.memory_space<semaphore_mem>>
    tpu.enqueue_indirect_dma source(%dma_start3A_107 : memref<100000x2048xf32, #tpu.memory_space<hbm>>) target(%dma_start3A_102 : memref<8x2048xf32, #tpu.memory_space<vmem>>) offsets(%dma_start3A_104 : memref<8xi32, #tpu.memory_space<vmem>>) semaphore(%dma_start3A_109 : memref<!tpu.dma_semaphore, #tpu.memory_space<semaphore_mem>>)
    %scan3A = arith.constant 0 : i32
    %scan3A_110 = arith.constant 64 : i32
    %scan3A_111 = arith.addi %scan3A, %scan3A_110 : i32
    %scan3A_112 = arith.constant 1 : i32
    scf.for %scan3A_114 = %scan3A to %scan3A_111 step %scan3A_112  : i32 {
      %mul3A_115 = arith.constant 1 : i32
      %mul3A_116 = arith.muli %scan3A_114, %mul3A_115 : i32
      %add3A_117 = arith.constant 0 : i32
      %add3A_118 = arith.addi %add3A_117, %mul3A_116 : i32
      %rem3A_119 = arith.constant 6 : i32
      %rem3A_120 = arith.remsi %add3A_118, %rem3A_119 : i32
      %mul3A_121 = arith.constant 8 : i32
      %mul3A_122 = arith.muli %add3A_118, %mul3A_121 : i32
      %dma_wait3A = arith.constant 0 : i32
      %dma_wait3A_123 = arith.constant 0 : i32
      %dma_wait3A_124 = tpu.memref_slice %arg6[%rem3A_120, %dma_wait3A, %dma_wait3A_123] : memref<6x8x2048xf32, #tpu.memory_space<vmem>> -> memref<1x8x2048xf32, #tpu.memory_space<vmem>>
      %dma_wait3A_125 = tpu.memref_squeeze %dma_wait3A_124 : memref<1x8x2048xf32, #tpu.memory_space<vmem>> -> memref<8x2048xf32, #tpu.memory_space<vmem>>
      %dma_wait3A_126 = tpu.memref_slice %arg5[%mul3A_122] : memref<512xi32, #tpu.memory_space<vmem>> -> memref<8xi32, #tpu.memory_space<vmem>>
      %dma_wait3A_127 = arith.constant 0 : i32
      %dma_wait3A_128 = arith.constant 0 : i32
      %dma_wait3A_129 = tpu.memref_slice %arg3[%dma_wait3A_127, %dma_wait3A_128] : memref<100000x2048xf32, #tpu.memory_space<hbm>> -> memref<100000x2048xf32, #tpu.memory_space<hbm>>
      %dma_wait3A_130 = tpu.memref_slice %arg7[%rem3A_120] : memref<6x!tpu.dma_semaphore, #tpu.memory_space<semaphore_mem>> -> memref<1x!tpu.dma_semaphore, #tpu.memory_space<semaphore_mem>>
      %dma_wait3A_131 = tpu.memref_squeeze %dma_wait3A_130 : memref<1x!tpu.dma_semaphore, #tpu.memory_space<semaphore_mem>> -> memref<!tpu.dma_semaphore, #tpu.memory_space<semaphore_mem>>
      tpu.wait_indirect_dma semaphore(%dma_wait3A_131 : memref<!tpu.dma_semaphore, #tpu.memory_space<semaphore_mem>>) src(%dma_wait3A_129 : memref<100000x2048xf32, #tpu.memory_space<hbm>>) dst(%dma_wait3A_125 : memref<8x2048xf32, #tpu.memory_space<vmem>>)
      %mul3A_132 = arith.constant 8 : i32
      %mul3A_133 = arith.muli %add3A_118, %mul3A_132 : i32
      %add3A_134 = arith.addi %mul3A_32, %mul3A_133 : i32
      "tpu.region"() ({
        %run_scoped3A = tpu.sem_alloc : memref<!tpu.dma_semaphore, #tpu.memory_space<semaphore_mem>>
        %dma_start3A_140 = arith.constant 0 : i32
        %dma_start3A_141 = arith.constant 0 : i32
        %dma_start3A_142 = tpu.memref_slice %arg6[%rem3A_120, %dma_start3A_140, %dma_start3A_141] : memref<6x8x2048xf32, #tpu.memory_space<vmem>> -> memref<1x8x2048xf32, #tpu.memory_space<vmem>>
        %dma_start3A_143 = tpu.memref_squeeze %dma_start3A_142 : memref<1x8x2048xf32, #tpu.memory_space<vmem>> -> memref<8x2048xf32, #tpu.memory_space<vmem>>
        %dma_start3A_144 = arith.constant 0 : i32
        %dma_start3A_145 = tpu.memref_slice %arg4[%select_n3A, %add3A_134, %dma_start3A_144] : memref<4x4096x2048xf32, #tpu.memory_space<hbm>> -> memref<1x8x2048xf32, #tpu.memory_space<hbm>>
        %dma_start3A_146 = tpu.memref_squeeze %dma_start3A_145 : memref<1x8x2048xf32, #tpu.memory_space<hbm>> -> memref<8x2048xf32, #tpu.memory_space<hbm>>
        %dma_start3A_147 = arith.constant 0 : i32
        %dma_start3A_148 = tpu.memref_slice %arg4[%select_n3A, %add3A_134, %dma_start3A_147] : memref<4x4096x2048xf32, #tpu.memory_space<hbm>> -> memref<1x8x2048xf32, #tpu.memory_space<hbm>>
        %dma_start3A_149 = tpu.memref_squeeze %dma_start3A_148 : memref<1x8x2048xf32, #tpu.memory_space<hbm>> -> memref<8x2048xf32, #tpu.memory_space<hbm>>
        %dma_start3A_150 = arith.constant 0 : i32
        %dma_start3A_151 = arith.constant 0 : i32
        %dma_start3A_152 = tpu.memref_slice %arg6[%rem3A_120, %dma_start3A_150, %dma_start3A_151] : memref<6x8x2048xf32, #tpu.memory_space<vmem>> -> memref<1x8x2048xf32, #tpu.memory_space<vmem>>
        %dma_start3A_153 = tpu.memref_squeeze %dma_start3A_152 : memref<1x8x2048xf32, #tpu.memory_space<vmem>> -> memref<8x2048xf32, #tpu.memory_space<vmem>>
        tpu.enqueue_dma source(%dma_start3A_153 : memref<8x2048xf32, #tpu.memory_space<vmem>>) target(%dma_start3A_149 : memref<8x2048xf32, #tpu.memory_space<hbm>>) target_semaphore(%run_scoped3A : memref<!tpu.dma_semaphore, #tpu.memory_space<semaphore_mem>>)
        %dma_wait3A_154 = arith.constant 0 : i32
        %dma_wait3A_155 = arith.constant 0 : i32
        %dma_wait3A_156 = tpu.memref_slice %arg6[%rem3A_120, %dma_wait3A_154, %dma_wait3A_155] : memref<6x8x2048xf32, #tpu.memory_space<vmem>> -> memref<1x8x2048xf32, #tpu.memory_space<vmem>>
        %dma_wait3A_157 = tpu.memref_squeeze %dma_wait3A_156 : memref<1x8x2048xf32, #tpu.memory_space<vmem>> -> memref<8x2048xf32, #tpu.memory_space<vmem>>
        %dma_wait3A_158 = arith.constant 0 : i32
        %dma_wait3A_159 = tpu.memref_slice %arg4[%select_n3A, %add3A_134, %dma_wait3A_158] : memref<4x4096x2048xf32, #tpu.memory_space<hbm>> -> memref<1x8x2048xf32, #tpu.memory_space<hbm>>
        %dma_wait3A_160 = tpu.memref_squeeze %dma_wait3A_159 : memref<1x8x2048xf32, #tpu.memory_space<hbm>> -> memref<8x2048xf32, #tpu.memory_space<hbm>>
        %dma_wait3A_161 = arith.constant 0 : i32
        %dma_wait3A_162 = tpu.memref_slice %arg4[%select_n3A, %add3A_134, %dma_wait3A_161] : memref<4x4096x2048xf32, #tpu.memory_space<hbm>> -> memref<1x8x2048xf32, #tpu.memory_space<hbm>>
        %dma_wait3A_163 = tpu.memref_squeeze %dma_wait3A_162 : memref<1x8x2048xf32, #tpu.memory_space<hbm>> -> memref<8x2048xf32, #tpu.memory_space<hbm>>
        %dma_wait3A_164 = arith.constant 0 : i32
        %dma_wait3A_165 = arith.constant 0 : i32
        %dma_wait3A_166 = tpu.memref_slice %arg6[%rem3A_120, %dma_wait3A_164, %dma_wait3A_165] : memref<6x8x2048xf32, #tpu.memory_space<vmem>> -> memref<1x8x2048xf32, #tpu.memory_space<vmem>>
        %dma_wait3A_167 = tpu.memref_squeeze %dma_wait3A_166 : memref<1x8x2048xf32, #tpu.memory_space<vmem>> -> memref<8x2048xf32, #tpu.memory_space<vmem>>
        tpu.wait_dma2 semaphore(%run_scoped3A : memref<!tpu.dma_semaphore, #tpu.memory_space<semaphore_mem>>) src(%dma_wait3A_167 : memref<8x2048xf32, #tpu.memory_space<vmem>>) dst(%dma_wait3A_163 : memref<8x2048xf32, #tpu.memory_space<hbm>>)
        tpu.yield
      }) : () -> ()
      %add3A_135 = arith.constant 6 : i32
      %add3A_136 = arith.addi %add3A_118, %add3A_135 : i32
      %lt3A_137 = arith.constant 64 : i32
      %lt3A_138 = arith.cmpi slt, %add3A_136, %lt3A_137 : i32
      %convert_element_type3A = arith.extui %lt3A_138 : i1 to i32
      %cond3A = arith.constant 0 : i32
      %cond3A_139 = arith.cmpi ne, %convert_element_type3A, %cond3A : i32
      scf.if %cond3A_139 {
        %add3A_140 = arith.constant 6 : i32
        %add3A_141 = arith.addi %add3A_118, %add3A_140 : i32
        %mul3A_142 = arith.constant 8 : i32
        %mul3A_143 = arith.muli %add3A_141, %mul3A_142 : i32
        %dma_start3A_144 = arith.constant 0 : i32
        %dma_start3A_145 = arith.constant 0 : i32
        %dma_start3A_146 = tpu.memref_slice %arg6[%rem3A_120, %dma_start3A_144, %dma_start3A_145] : memref<6x8x2048xf32, #tpu.memory_space<vmem>> -> memref<1x8x2048xf32, #tpu.memory_space<vmem>>
        %dma_start3A_147 = tpu.memref_squeeze %dma_start3A_146 : memref<1x8x2048xf32, #tpu.memory_space<vmem>> -> memref<8x2048xf32, #tpu.memory_space<vmem>>
        %dma_start3A_148 = tpu.memref_slice %arg5[%mul3A_143] : memref<512xi32, #tpu.memory_space<vmem>> -> memref<8xi32, #tpu.memory_space<vmem>>
        %dma_start3A_149 = arith.constant 0 : i32
        %dma_start3A_150 = arith.constant 0 : i32
        %dma_start3A_151 = tpu.memref_slice %arg3[%dma_start3A_149, %dma_start3A_150] : memref<100000x2048xf32, #tpu.memory_space<hbm>> -> memref<100000x2048xf32, #tpu.memory_space<hbm>>
        %dma_start3A_152 = tpu.memref_slice %arg7[%rem3A_120] : memref<6x!tpu.dma_semaphore, #tpu.memory_space<semaphore_mem>> -> memref<1x!tpu.dma_semaphore, #tpu.memory_space<semaphore_mem>>
        %dma_start3A_153 = tpu.memref_squeeze %dma_start3A_152 : memref<1x!tpu.dma_semaphore, #tpu.memory_space<semaphore_mem>> -> memref<!tpu.dma_semaphore, #tpu.memory_space<semaphore_mem>>
        tpu.enqueue_indirect_dma source(%dma_start3A_151 : memref<100000x2048xf32, #tpu.memory_space<hbm>>) target(%dma_start3A_147 : memref<8x2048xf32, #tpu.memory_space<vmem>>) offsets(%dma_start3A_148 : memref<8xi32, #tpu.memory_space<vmem>>) semaphore(%dma_start3A_153 : memref<!tpu.dma_semaphore, #tpu.memory_space<semaphore_mem>>)
      } else {
      }
    }
    %scan3A_113 = arith.constant 64 : i32
    return
  }
}

</mosaic_0001>

<sc_bundles>
// kernel: kernel.3.cloned.1.call-start
scs
__scs_entry_jumppad:
0x0: {  	(pc) =	sbr.rel $0x88, $3  }
0x1: {  	(tag) =	ssettag $0x0;
	lr =	simm.s32 $0x1  }
0x2: {  	[smem:$0x3F9F] =	sst lr;
	_ =	strace $0xD0000000  }
0x3: {  	_ = 	snop  }
0x4: {  	_ = 	snop  }
0x5: {  	_ = 	snop  }
0x6: {  	_ = 	snop  }
0x7: {  	_ = 	snop  }
__scs_overlays_trampoline_lowered:
0x8: {  	[smem:$0x3FAE] =	sst s0  }
0x9: {  	[smem:$0x3FAF] =	sst s1  }
0xa: {  	[smem:$0x3FB0] =	sst s2  }
0xb: {  	[smem:$0x3FB1] =	sst s3  }
0xc: {  	[smem:$0x3FB2] =	sst s4  }
0xd: {  	[smem:$0x3FB3] =	sst s5  }
0xe: {  	[smem:$0x3FB4] =	sst s6  }
0xf: {  	[smem:$0x3FB5] =	sst s7  }
0x10: {  	[smem:$0x3FB6] =	sst s8  }
0x11: {  	[smem:$0x3FB7] =	sst s9;
	s0 =	simm.s32 @!p0 $0x0  }
0x12: {  	s1 =	sld [smem:$0x3F9D];
	s0 =	simm.s32 @p0 $0x1  }
0x13: {  	[smem:$0x3FB8] =	sst s0;
	s0 =	simm.s32 @!p1 $0x0  }
0x14: {  	s2 =	sld [smem:$0x3F9C];
	s0 =	simm.s32 @p1 $0x1  }
0x15: {  	[smem:$0x3FB9] =	sst s0;
	s0 =	simm.s32 @!p2 $0x0  }
0x16: {  	s3 =	sld [smem:$0x3FDB];
	s0 =	simm.s32 @p2 $0x1  }
0x17: {  	s4 =	simm.s32 $0x1BF5;
	[smem:$0x3FBB] =	sst s0  }
0x18: {  	s0 =	sld [smem:$0x3F9E];
	_ =	swait.ge [sflag:s4], $0x0  }
0x19: {  	s7 =	sld [smem:$0x3F9F]  }
0x1a: {  	s8 =	sadd.s32 $0xFFFFE003, lr  }
0x1b: {  	s9 =	sadd.s32 $0xFFFFFEF7, lr;
	s5 =	simm.s32 $0xFFFFFFFF;
	p2 =	slt.u32 s8, $0xFFFFF086  }
0x1c: {  	p1 =	slt.u32 s9, $0xF7A;
	s5 =	simm.s32 @!p2 $0x0  }
0x1d: {  	s5 =	simm.s32 @p1 $0x1;
	p0 =	seq.s32 s7, s2  }
0x1e: {  	s7 =	smul.u32 @!p0 $0xF7A, s2;
	p2 =	seq.s32 @!p0 s5, $0x0  }
0x1f: {  	s9 =	smul.u32 $0xF7A, s1;
	s8 =	simm.s32 @!p0 $0x1BF5;
	p2 =	por !p2, p0  }
0x20: {  	[sflag:s8] =	ssyncset.s32 @!p0 $0xFFFFF086;
	s6 =	sadd.s32 @!p0 s3, s7;
	s7 =	simm.s32 @!p0 $0x108  }
0x21: {  	s3 =	sadd.s32 s3, s9;
	s6 =	sadd.s32 @!p0 $0x88, s6;
	s7 =	simm.s32 @p2 $0x1082  }
0x22: {  	[simem:s7], [sflag:s8] =	dma.local @!p0 [hbm:s6], $0xF7A  }
0x23: {  	s9 =	sor.u32 $0xD0000000, s2;
	s6 =	simm.s32 $0x108;
	_ =	swait.ge @!p0 [sflag:s8], $0x0  }
0x24: {  	s3 =	sadd.s32 $0x88, s3;
	s6 =	simm.s32 @!p1 $0x1082;
	[sflag:s4] =	ssyncset.s32 $0xFFFFF086  }
0x25: {  	[simem:s6], [sflag:s4] =	dma.local [hbm:s3], $0xF7A  }
0x26: {  	[smem:$0x3F9F] =	sst s1;
	(tag) =	ssettag s2;
	_ =	strace s9  }
0x27: {  	s1 =	sld [smem:$0x3FAF]  }
0x28: {  	s2 =	sld [smem:$0x3FB0]  }
0x29: {  	s4 =	sld [smem:$0x3FB2]  }
0x2a: {  	p0 =	seq.s32 s5, $0x0;
	s5 =	sld [smem:$0x3FB3]  }
0x2b: {  	s6 =	sld [smem:$0x3FB4]  }
0x2c: {  	s7 =	sld [smem:$0x3FB5]  }
0x2d: {  	s3 =	simm.s32 $0x108;
	s8 =	sld [smem:$0x3FB6]  }
0x2e: {  	s3 =	simm.s32 @!p0 $0x1082;
	s9 =	sld [smem:$0x3FB7]  }
0x2f: {  	lr =	sadd.s32 s0, s3;
	s0 =	sld [smem:$0x3FAE]  }
0x30: {  	s3 =	sld [smem:$0x3FB1]  }
0x31: {  	[smem:$0x3FBA] =	sst s10  }
0x32: {  	s10 =	sld [smem:$0x3FB8];
	_ =	sdelay $0x3  }
0x33: {  	p0 =	seq.s32 s10, $0x1;
	s10 =	sld [smem:$0x3FBA];
	_ =	sdelay $0x3  }
0x34: {  	[smem:$0x3FBA] =	sst s10  }
0x35: {  	s10 =	sld [smem:$0x3FB9];
	_ =	sdelay $0x3  }
0x36: {  	p1 =	seq.s32 s10, $0x1;
	s10 =	sld [smem:$0x3FBA];
	_ =	sdelay $0x3  }
0x37: {  	[smem:$0x3FBA] =	sst s10  }
0x38: {  	s10 =	sld [smem:$0x3FBB]  }
0x39: {  	_ = 	snop;
	(pc) =	sbr.ind lr, $3  }
0x3a: {  	_ = 	snop  }
0x3b: {  	_ = 	snop  }
0x3c: {  	p2 =	seq.s32 s10, $0x1;
	s10 =	sld [smem:$0x3FBA]  }
0x3d: {  	_ =	shalt  }
0x3e: {  	_ =	shalt  }
0x3f: {  	_ =	shalt  }
0x40: {  	_ =	shalt  }
0x41: {  	_ =	shalt  }
0x42: {  	_ =	shalt  }
0x43: {  	_ =	shalt  }
0x44: {  	_ =	shalt  }
0x45: {  	_ =	shalt  }
0x46: {  	_ =	shalt  }
0x47: {  	_ =	shalt  }
0x48: {  	_ =	shalt  }
0x49: {  	_ =	shalt  }
0x4a: {  	_ =	shalt  }
0x4b: {  	_ =	shalt  }
0x4c: {  	_ =	shalt  }
0x4d: {  	_ =	shalt  }
0x4e: {  	_ =	shalt  }
0x4f: {  	_ =	shalt  }
0x50: {  	_ =	shalt  }
0x51: {  	_ =	shalt  }
0x52: {  	_ =	shalt  }
0x53: {  	_ =	shalt  }
0x54: {  	_ =	shalt  }
0x55: {  	_ =	shalt  }
0x56: {  	_ =	shalt  }
0x57: {  	_ =	shalt  }
0x58: {  	_ =	shalt  }
0x59: {  	_ =	shalt  }
0x5a: {  	_ =	shalt  }
0x5b: {  	_ =	shalt  }
0x5c: {  	_ =	shalt  }
0x5d: {  	_ =	shalt  }
0x5e: {  	_ =	shalt  }
0x5f: {  	_ =	shalt  }
0x60: {  	_ =	shalt  }
0x61: {  	_ =	shalt  }
0x62: {  	_ =	shalt  }
0x63: {  	_ =	shalt  }
0x64: {  	_ =	shalt  }
0x65: {  	_ =	shalt  }
0x66: {  	_ =	shalt  }
0x67: {  	_ =	shalt  }
0x68: {  	_ =	shalt  }
0x69: {  	_ =	shalt  }
0x6a: {  	_ =	shalt  }
0x6b: {  	_ =	shalt  }
0x6c: {  	_ =	shalt  }
0x6d: {  	_ =	shalt  }
0x6e: {  	_ =	shalt  }
0x6f: {  	_ =	shalt  }
0x70: {  	_ =	shalt  }
0x71: {  	_ =	shalt  }
0x72: {  	_ =	shalt  }
0x73: {  	_ =	shalt  }
0x74: {  	_ =	shalt  }
0x75: {  	_ =	shalt  }
0x76: {  	_ =	shalt  }
0x77: {  	_ =	shalt  }
0x78: {  	_ =	shalt  }
0x79: {  	_ =	shalt  }
0x7a: {  	_ =	shalt  }
0x7b: {  	_ =	shalt  }
0x7c: {  	_ =	shalt  }
0x7d: {  	_ =	shalt  }
0x7e: {  	_ =	shalt  }
0x7f: {  	_ =	shalt  }
0x80: {  	_ =	shalt  }
0x81: {  	_ =	shalt  }
0x82: {  	_ =	shalt  }
0x83: {  	_ =	shalt  }
0x84: {  	_ =	shalt  }
0x85: {  	_ =	shalt  }
0x86: {  	_ =	shalt  }
0x87: {  	_ =	shalt  }
.Lfunc_end0:
.L_simem_size_0:
called_computation_lowered:
.L_overlay_start_0:
0x88: {  	s2 =	sld [smem:$0x3FD9]  }
0x89: {  	s3 =	sld [smem:$0x3FFE];
	_ =	sdelay $0x1  }
0x8a: {  	s1 =	srdreg.scid  }
0x8b: {  	s0 =	sand.u32 $0x1, s1  }
0x8c: {  	s18 =	sshll.u32 s0, $0xA;
	s2 =	sadd.s32 s3, s2  }
0x8d: {  	s2 =	sadd.s32 s2, s18  }
0x8e: {  	[smem:$0x3FC6] =	sst s2  }
0x8f: {  	_ = 	snop  }
0x90: {  	s2 =	sld [smem:$0x3FC9]  }
0x91: {  	s19 =	sld [smem:$0x3FC8]  }
0x92: {  	s4 =	sld [smem:$0x3FD0];
	(tm) =	ssettm $0x1  }
0x93: {  	s5 =	sld [smem:$0x3FFB];
	_ =	sdelay $0x3  }
0x94: {  	_ =	strace s5  }
0x95: {  	s5 =	sld [smem:$0x3FFC];
	_ =	sdelay $0x3  }
0x96: {  	_ =	strace s5  }
0x97: {  	s5 =	sld [smem:$0x3FFD];
	_ =	sdelay $0x3  }
0x98: {  	_ =	strace s5  }
0x99: {  	_ =	strace $0x8FFFFFFF  }
0x9a: {  	s20 =	sld [smem:$0x3FDB];
	_ =	sdelay $0x1  }
0x9b: {  	s6 =	simm.s32 $_scs_section_size  }
0x9c: {  	s7 =	simm.s32 $_size__tile_overlayer_lowered;
	s8 =	simm.s32 $_tile_overlayer_lowered  }
0x9d: {  	s23 =	simm.s32 $0x1BFF;
	s22 =	sshll.u32 s8, $0x1;
	s5 =	sadd.s32 s6, s20  }
0x9e: {  	s9 =	simm.s32 $0x0;
	s21 =	sshll.u32 s7, $0x1;
	s7 =	sadd.s32 s22, s5  }
0x9f: {  	[timem:s9], [sflag:s23] =	dma.local [hbm:s7], s21  }
0xa0: {  	_ =	swait.ge [sflag:s23], s21  }
0xa1: {  	s6 =	ssub.s32 $0x0, s21;
	[sflag:s23] =	ssyncset.done $0x0  }
0xa2: {  	[sflag:s23] =	ssyncadd.s32 s6;
	_ =	sdelay $0x1  }
0xa3: {  	s24 =	simm.s32 $0x1B8B  }
0xa4: {  	_ =	swait.ge [sflag:s24], $0x1  }
0xa5: {  	[sflag:s24] =	ssyncset.done $0x0  }
0xa6: {  	s25 =	simm.s32 $0x1B8E;
	[sflag:s24] =	ssyncadd.s32 $0xFFFFFFFF  }
0xa7: {  	s26 =	simm.s32 $execute0_lowered;
	[smem:$0x3FD2] =	sst s25  }
0xa8: {  	s6 =	sshll.u32 s26, $0x1;
	_ =	strace $0x80000046;
	[dreg:$0x1] =	wrdreg $0xFFFFFFFF  }
0xa9: {  	s28 =	simm.s32 $_size_execute0_lowered;
	s5 =	sadd.s32 s5, s6;
	[dreg:$0x0] =	wrdreg $0x0  }
0xaa: {  	s6 =	sshll.u32 s28, $0x1;
	[dreg:$0x2] =	wrdreg s5  }
0xab: {  	[dreg:$0x3] =	wrdreg s6  }
0xac: {  	[dreg:$0x4] =	wrdreg $0xC0  }
0xad: {  	_ =	task [dreg:s9], $0x5FFFF  }
0xae: {  	[dreg:$0x1] =	wrdreg $0xFFFFFFFF  }
0xaf: {  	[dreg:$0x0] =	wrdreg $0x60  }
0xb0: {  	[dreg:$0x2] =	wrdreg s2  }
0xb1: {  	[dreg:$0x3] =	wrdreg s19  }
0xb2: {  	[dreg:$0x4] =	wrdreg s4  }
0xb3: {  	[dreg:$0x5] =	wrdreg $0x9  }
0xb4: {  	_ =	task.clear_ibuf [dreg:s9], $0x6FFFF;
	_ =	strace $0x90000046  }
0xb5: {  	s29 =	simm.s32 $0x9;
	_ =	strace $0x80000048  }
0xb6: {  	_ =	swait.ge [sflag:s29], $0x1  }
0xb7: {  	[sflag:s29] =	ssyncadd.s32 $0xFFFFFFFF  }
0xb8: {  	_ =	strace $0x90000048  }
0xb9: {  	_ =	sfence  }
0xba: {  	s30 =	sld [smem:$0x0];
	_ =	sdelay $0x2  }
0xbb: {  	s31 =	sshll.u32 s1, $0xD;
	s1 =	sshrl.u32 s1, $0x2  }
0xbc: {  	s3 =	sand.u32 $0x4000, s31;
	s1 =	sadd.s32 s1, s30  }
0xbd: {  	s0 =	sor.u32 s3, s0;
	s1 =	sshll.u32 s1, $0x11  }
0xbe: {  	s0 =	sor.u32 s1, s0  }
0xbf: {  	s0 =	sadd.s32 $0x8F2B, s0  }
0xc0: {  	[sflag:s0] =	ssyncadd.remote.s32 $0x1  }
0xc1: {  	_ =	sfence.sel $0xFFFF  }
0xc2: {  	[dreg:$0x0] =	wrdreg $0xFFFFFFFF;
	(pc) =	sbr.abs _section_cstart, $3  }
0xc3: {  	[dreg:$0x1] =	wrdreg $0xFFFFFFFF  }
0xc4: {  	_ =	task.clear_ibuf [dreg:s9], $0x2FFFF;
	_ =	strace $0x9FFFFFFF  }
0xc5: {  	(tm) =	ssettm $0x7FFFFFFF  }
tec
execute0_lowered:
.L_overlay_start_1:
0x0: {  	(tag) =	ssettag $0x1  }
0x1: {  	s0 =	rddreg [dreg:$0x0]  }
0x2: {  	s2 =	rddreg [dreg:$0x1]  }
0x3: {  	s1 =	rddreg [dreg:$0x2];
	s3 =	simm.s32 $0x0  }
0x4: {  	s10 =	stileid.u32;
	s4 =	srdreg.scid;
	s15 =	simm.s32 $0x200  }
0x5: {  	s16 =	simm.s32 $0x7;
	s29 =	simm.s32 $0x17200;
	s30 =	simm.s32 $0x17A00  }
0x6: {  	s31 =	simm.s32 $0x0;
	[smem:$0x7FF] =	sst s3;
	s5 =	sshll.u32 s10, $0x1  }
0x7: {  	s11 =	sand.u32 $0x1, s4;
	s9 =	sshrl.u32 s10, $0x2;
	s8 =	sadd.s32 $0x400, s2  }
0x8: {  	s10 =	sand.u32 $0x3, s10;
	s23 =	sand.u32 $0x6, s5;
	s24 =	ssub.s32 $0x2, s11  }
0x9: {  	s6 =	sshll.u32 s9, $0x4;
	_ =	strace $0x80000047;
	s5 =	sadd.s32 $0x100, s2  }
0xa: {  	s25 =	sshll.u32 s9, $0x14;
	s9 =	sadd.s32 $0x500, s2;
	s26 =	sshll.u32 s10, $0x12  }
0xb: {  	s10 =	sadd.s32 $0x600, s2;
	s28 =	sshll.u32 s11, $0x11;
	s4 =	sor.u32 s11, s23  }
0xc: {  	s7 =	sshrl.u32 s24, $0x1;
	s0 =	sadd.s32 s0, s6;
	s4 =	sshll.u32 s4, $0x8  }
0xd: {  	v0 =	vlaneseq.u32;
	s6 =	sadd.s32 $0x200, s2;
	s4 =	sadd.s32 s4, s0;
	s0 =	sadd.s32 s25, s1  }
0xe: {  	v1 =	vshrl.u32 v0, $0x3;
	s11 =	sadd.s32 $0x700, s2;
	s12 =	ssub.s32 s24, s7;
	s0 =	sadd.s32 s26, s0  }
0xf: {  	vm0 =	vmmov $0xffff;
	v0 =	vand.u32 $0x7, v0;
	v1 =	vmul.u32 $0x8, v1;
	s7 =	sadd.s32 $0x300, s2;
	s12 =	smax.u32 s12, $0x1;
	s13 =	sadd.s32 s28, s0  }
.LBB2_1:
0x10: {  	s0 =	simm.s32 $0x80  }
0x11: {  	[tilespmem:s3], [sflag:$0x7] =	stream.strided.gather [hbm4b:s4+s0], $0x200, s15, s0, $0x38;
	[tilespmem:$0x18200] =	vst v63  }
0x12: {  	_ =	swait.ge [sflag:s16], $0x200  }
0x13: {  	[sflag:s16] =	ssyncset.done $0x0  }
0x14: {  	[sflag:s16] =	ssyncadd.s32 $0xFFFFFE00  }
0x15: {  	v2 =	vld.msk [tilespmem:$0x0], $0xff;
	_ =	sdelay $0x4  }
0x16: {  	v3 =	vshll.u32 v2, $0x4  }
0x17: {  	v2 =	vand.u32 $0x7, v2;
	v3 =	vand.u32 $0xFFFFFF80, v3  }
0x18: {  	v2 =	vor.u32 v2, v3  }
0x19: {  	v2 =	vperm.xlane v2, v0;
	_ =	sdelay $0x1  }
0x1a: {  	v2 =	vadd.s32 v1, v2;
	_ =	sdelay $0x4  }
0x1b: {  	[tilespmem:s15], [sflag:$0x1] =	stream.indirect_vreg.gather [hbm4b:s2+s3], $0x80, v2, vm0, $0xb8;
	[tilespmem:$0x18200] =	vst v63  }
0x1c: {  	s20 =	simm.s32 $0xA00  }
0x1d: {  	[tilespmem:s20], [sflag:$0x1] =	stream.indirect_vreg.gather [hbm4b:s5+s3], $0x80, v2, vm0, $0xb8;
	[tilespmem:$0x18200] =	vst v63  }
0x1e: {  	s21 =	simm.s32 $0x1200  }
0x1f: {  	[tilespmem:s21], [sflag:$0x1] =	stream.indirect_vreg.gather [hbm4b:s6+s3], $0x80, v2, vm0, $0xb8;
	[tilespmem:$0x18200] =	vst v63  }
0x20: {  	s22 =	simm.s32 $0x1A00  }
0x21: {  	[tilespmem:s22], [sflag:$0x1] =	stream.indirect_vreg.gather [hbm4b:s7+s3], $0x80, v2, vm0, $0xb8;
	[tilespmem:$0x18200] =	vst v63  }
0x22: {  	s23 =	simm.s32 $0x2200  }
0x23: {  	[tilespmem:s23], [sflag:$0x1] =	stream.indirect_vreg.gather [hbm4b:s8+s3], $0x80, v2, vm0, $0xb8;
	[tilespmem:$0x18200] =	vst v63  }
0x24: {  	s24 =	simm.s32 $0x2A00  }
0x25: {  	[tilespmem:s24], [sflag:$0x1] =	stream.indirect_vreg.gather [hbm4b:s9+s3], $0x80, v2, vm0, $0xb8;
	[tilespmem:$0x18200] =	vst v63  }
0x26: {  	s25 =	simm.s32 $0x3200  }
0x27: {  	[tilespmem:s25], [sflag:$0x1] =	stream.indirect_vreg.gather [hbm4b:s10+s3], $0x80, v2, vm0, $0xb8;
	[tilespmem:$0x18200] =	vst v63  }
0x28: {  	s26 =	simm.s32 $0x3A00  }
0x29: {  	[tilespmem:s26], [sflag:$0x1] =	stream.indirect_vreg.gather [hbm4b:s11+s3], $0x80, v2, vm0, $0xb8;
	[tilespmem:$0x18200] =	vst v63  }
0x2a: {  	v2 =	vld.msk [tilespmem:$0x8], $0xff;
	_ =	sdelay $0x4  }
0x2b: {  	v3 =	vshll.u32 v2, $0x4  }
0x2c: {  	v2 =	vand.u32 $0x7, v2;
	v3 =	vand.u32 $0xFFFFFF80, v3  }
0x2d: {  	v2 =	vor.u32 v2, v3  }
0x2e: {  	v2 =	vperm.xlane v2, v0;
	_ =	sdelay $0x1  }
0x2f: {  	v2 =	vadd.s32 v1, v2;
	_ =	sdelay $0x3  }
0x30: {  	s28 =	simm.s32 $0x4200  }
0x31: {  	[tilespmem:s28], [sflag:$0x2] =	stream.indirect_vreg.gather [hbm4b:s2+s3], $0x80, v2, vm0, $0xb8;
	[tilespmem:$0x18200] =	vst v63  }
0x32: {  	s1 =	simm.s32 $0x4A00  }
0x33: {  	[tilespmem:s1], [sflag:$0x2] =	stream.indirect_vreg.gather [hbm4b:s5+s3], $0x80, v2, vm0, $0xb8;
	[tilespmem:$0x18200] =	vst v63  }
0x34: {  	s14 =	simm.s32 $0x5200  }
0x35: {  	[tilespmem:s14], [sflag:$0x2] =	stream.indirect_vreg.gather [hbm4b:s6+s3], $0x80, v2, vm0, $0xb8;
	[tilespmem:$0x18200] =	vst v63  }
0x36: {  	s17 =	simm.s32 $0x5A00  }
0x37: {  	[tilespmem:s17], [sflag:$0x2] =	stream.indirect_vreg.gather [hbm4b:s7+s3], $0x80, v2, vm0, $0xb8;
	[tilespmem:$0x18200] =	vst v63  }
0x38: {  	s18 =	simm.s32 $0x6200  }
0x39: {  	[tilespmem:s18], [sflag:$0x2] =	stream.indirect_vreg.gather [hbm4b:s8+s3], $0x80, v2, vm0, $0xb8;
	[tilespmem:$0x18200] =	vst v63  }
0x3a: {  	s19 =	simm.s32 $0x6A00  }
0x3b: {  	[tilespmem:s19], [sflag:$0x2] =	stream.indirect_vreg.gather [hbm4b:s9+s3], $0x80, v2, vm0, $0xb8;
	[tilespmem:$0x18200] =	vst v63  }
0x3c: {  	s20 =	simm.s32 $0x7200  }
0x3d: {  	[tilespmem:s20], [sflag:$0x2] =	stream.indirect_vreg.gather [hbm4b:s10+s3], $0x80, v2, vm0, $0xb8;
	[tilespmem:$0x18200] =	vst v63  }
0x3e: {  	s21 =	simm.s32 $0x7A00  }
0x3f: {  	[tilespmem:s21], [sflag:$0x2] =	stream.indirect_vreg.gather [hbm4b:s11+s3], $0x80, v2, vm0, $0xb8;
	[tilespmem:$0x18200] =	vst v63  }
0x40: {  	v2 =	vld.msk [tilespmem:$0x10], $0xff;
	_ =	sdelay $0x4  }
0x41: {  	v3 =	vshll.u32 v2, $0x4  }
0x42: {  	v2 =	vand.u32 $0x7, v2;
	v3 =	vand.u32 $0xFFFFFF80, v3  }
0x43: {  	v2 =	vor.u32 v2, v3  }
0x44: {  	v2 =	vperm.xlane v2, v0;
	_ =	sdelay $0x1  }
0x45: {  	v2 =	vadd.s32 v1, v2;
	_ =	sdelay $0x3  }
0x46: {  	s22 =	simm.s32 $0x8200  }
0x47: {  	[tilespmem:s22], [sflag:$0x3] =	stream.indirect_vreg.gather [hbm4b:s2+s3], $0x80, v2, vm0, $0xb8;
	[tilespmem:$0x18200] =	vst v63  }
0x48: {  	s23 =	simm.s32 $0x8A00  }
0x49: {  	[tilespmem:s23], [sflag:$0x3] =	stream.indirect_vreg.gather [hbm4b:s5+s3], $0x80, v2, vm0, $0xb8;
	[tilespmem:$0x18200] =	vst v63  }
0x4a: {  	s24 =	simm.s32 $0x9200  }
0x4b: {  	[tilespmem:s24], [sflag:$0x3] =	stream.indirect_vreg.gather [hbm4b:s6+s3], $0x80, v2, vm0, $0xb8;
	[tilespmem:$0x18200] =	vst v63  }
0x4c: {  	s25 =	simm.s32 $0x9A00  }
0x4d: {  	[tilespmem:s25], [sflag:$0x3] =	stream.indirect_vreg.gather [hbm4b:s7+s3], $0x80, v2, vm0, $0xb8;
	[tilespmem:$0x18200] =	vst v63  }
0x4e: {  	s26 =	simm.s32 $0xA200  }
0x4f: {  	[tilespmem:s26], [sflag:$0x3] =	stream.indirect_vreg.gather [hbm4b:s8+s3], $0x80, v2, vm0, $0xb8;
	[tilespmem:$0x18200] =	vst v63  }
0x50: {  	s28 =	simm.s32 $0xAA00  }
0x51: {  	[tilespmem:s28], [sflag:$0x3] =	stream.indirect_vreg.gather [hbm4b:s9+s3], $0x80, v2, vm0, $0xb8;
	[tilespmem:$0x18200] =	vst v63  }
0x52: {  	s1 =	simm.s32 $0xB200  }
0x53: {  	[tilespmem:s1], [sflag:$0x3] =	stream.indirect_vreg.gather [hbm4b:s10+s3], $0x80, v2, vm0, $0xb8;
	[tilespmem:$0x18200] =	vst v63  }
0x54: {  	s14 =	simm.s32 $0xBA00  }
0x55: {  	[tilespmem:s14], [sflag:$0x3] =	stream.indirect_vreg.gather [hbm4b:s11+s3], $0x80, v2, vm0, $0xb8;
	[tilespmem:$0x18200] =	vst v63  }
0x56: {  	v2 =	vld.msk [tilespmem:$0x18], $0xff;
	_ =	sdelay $0x4  }
0x57: {  	v3 =	vshll.u32 v2, $0x4  }
0x58: {  	v2 =	vand.u32 $0x7, v2;
	v3 =	vand.u32 $0xFFFFFF80, v3  }
0x59: {  	v2 =	vor.u32 v2, v3  }
0x5a: {  	v2 =	vperm.xlane v2, v0;
	_ =	sdelay $0x1  }
0x5b: {  	v2 =	vadd.s32 v1, v2;
	_ =	sdelay $0x3  }
0x5c: {  	s17 =	simm.s32 $0xC200  }
0x5d: {  	[tilespmem:s17], [sflag:$0x4] =	stream.indirect_vreg.gather [hbm4b:s2+s3], $0x80, v2, vm0, $0xb8;
	[tilespmem:$0x18200] =	vst v63  }
0x5e: {  	s18 =	simm.s32 $0xCA00  }
0x5f: {  	[tilespmem:s18], [sflag:$0x4] =	stream.indirect_vreg.gather [hbm4b:s5+s3], $0x80, v2, vm0, $0xb8;
	[tilespmem:$0x18200] =	vst v63  }
0x60: {  	s19 =	simm.s32 $0xD200  }
0x61: {  	[tilespmem:s19], [sflag:$0x4] =	stream.indirect_vreg.gather [hbm4b:s6+s3], $0x80, v2, vm0, $0xb8;
	[tilespmem:$0x18200] =	vst v63  }
0x62: {  	s20 =	simm.s32 $0xDA00  }
0x63: {  	[tilespmem:s20], [sflag:$0x4] =	stream.indirect_vreg.gather [hbm4b:s7+s3], $0x80, v2, vm0, $0xb8;
	[tilespmem:$0x18200] =	vst v63  }
0x64: {  	s21 =	simm.s32 $0xE200  }
0x65: {  	[tilespmem:s21], [sflag:$0x4] =	stream.indirect_vreg.gather [hbm4b:s8+s3], $0x80, v2, vm0, $0xb8;
	[tilespmem:$0x18200] =	vst v63  }
0x66: {  	s22 =	simm.s32 $0xEA00  }
0x67: {  	[tilespmem:s22], [sflag:$0x4] =	stream.indirect_vreg.gather [hbm4b:s9+s3], $0x80, v2, vm0, $0xb8;
	[tilespmem:$0x18200] =	vst v63  }
0x68: {  	s23 =	simm.s32 $0xF200  }
0x69: {  	[tilespmem:s23], [sflag:$0x4] =	stream.indirect_vreg.gather [hbm4b:s10+s3], $0x80, v2, vm0, $0xb8;
	[tilespmem:$0x18200] =	vst v63  }
0x6a: {  	s24 =	simm.s32 $0xFA00  }
0x6b: {  	[tilespmem:s24], [sflag:$0x4] =	stream.indirect_vreg.gather [hbm4b:s11+s3], $0x80, v2, vm0, $0xb8;
	[tilespmem:$0x18200] =	vst v63  }
0x6c: {  	v2 =	vld.msk [tilespmem:$0x20], $0xff;
	_ =	sdelay $0x4  }
0x6d: {  	v3 =	vshll.u32 v2, $0x4  }
0x6e: {  	v2 =	vand.u32 $0x7, v2;
	v3 =	vand.u32 $0xFFFFFF80, v3  }
0x6f: {  	v2 =	vor.u32 v2, v3  }
0x70: {  	v2 =	vperm.xlane v2, v0;
	_ =	sdelay $0x1  }
0x71: {  	v2 =	vadd.s32 v1, v2;
	_ =	sdelay $0x3  }
0x72: {  	s25 =	simm.s32 $0x10200  }
0x73: {  	[tilespmem:s25], [sflag:$0x5] =	stream.indirect_vreg.gather [hbm4b:s2+s3], $0x80, v2, vm0, $0xb8;
	[tilespmem:$0x18200] =	vst v63  }
0x74: {  	s26 =	simm.s32 $0x10A00  }
0x75: {  	[tilespmem:s26], [sflag:$0x5] =	stream.indirect_vreg.gather [hbm4b:s5+s3], $0x80, v2, vm0, $0xb8;
	[tilespmem:$0x18200] =	vst v63  }
0x76: {  	s28 =	simm.s32 $0x11200  }
0x77: {  	[tilespmem:s28], [sflag:$0x5] =	stream.indirect_vreg.gather [hbm4b:s6+s3], $0x80, v2, vm0, $0xb8;
	[tilespmem:$0x18200] =	vst v63  }
0x78: {  	s1 =	simm.s32 $0x11A00  }
0x79: {  	[tilespmem:s1], [sflag:$0x5] =	stream.indirect_vreg.gather [hbm4b:s7+s3], $0x80, v2, vm0, $0xb8;
	[tilespmem:$0x18200] =	vst v63  }
0x7a: {  	s14 =	simm.s32 $0x12200  }
0x7b: {  	[tilespmem:s14], [sflag:$0x5] =	stream.indirect_vreg.gather [hbm4b:s8+s3], $0x80, v2, vm0, $0xb8;
	[tilespmem:$0x18200] =	vst v63  }
0x7c: {  	s17 =	simm.s32 $0x12A00  }
0x7d: {  	[tilespmem:s17], [sflag:$0x5] =	stream.indirect_vreg.gather [hbm4b:s9+s3], $0x80, v2, vm0, $0xb8;
	[tilespmem:$0x18200] =	vst v63  }
0x7e: {  	s18 =	simm.s32 $0x13200  }
0x7f: {  	[tilespmem:s18], [sflag:$0x5] =	stream.indirect_vreg.gather [hbm4b:s10+s3], $0x80, v2, vm0, $0xb8;
	[tilespmem:$0x18200] =	vst v63  }
0x80: {  	s19 =	simm.s32 $0x13A00  }
0x81: {  	[tilespmem:s19], [sflag:$0x5] =	stream.indirect_vreg.gather [hbm4b:s11+s3], $0x80, v2, vm0, $0xb8;
	[tilespmem:$0x18200] =	vst v63  }
0x82: {  	v2 =	vld.msk [tilespmem:$0x28], $0xff;
	_ =	sdelay $0x4  }
0x83: {  	v3 =	vshll.u32 v2, $0x4  }
0x84: {  	v2 =	vand.u32 $0x7, v2;
	v3 =	vand.u32 $0xFFFFFF80, v3  }
0x85: {  	v2 =	vor.u32 v2, v3  }
0x86: {  	v2 =	vperm.xlane v2, v0;
	_ =	sdelay $0x1  }
0x87: {  	v2 =	vadd.s32 v1, v2;
	_ =	sdelay $0x3  }
0x88: {  	s20 =	simm.s32 $0x14200  }
0x89: {  	[tilespmem:s20], [sflag:$0x6] =	stream.indirect_vreg.gather [hbm4b:s2+s3], $0x80, v2, vm0, $0xb8;
	[tilespmem:$0x18200] =	vst v63  }
0x8a: {  	s21 =	simm.s32 $0x14A00;
	s26 =	smul.u32 $0xAB, s3  }
0x8b: {  	[tilespmem:s21], [sflag:$0x6] =	stream.indirect_vreg.gather [hbm4b:s5+s3], $0x80, v2, vm0, $0xb8;
	[tilespmem:$0x18200] =	vst v63  }
0x8c: {  	s22 =	simm.s32 $0x15200;
	s0 =	sshrl.u32 s26, $0xA  }
0x8d: {  	[tilespmem:s22], [sflag:$0x6] =	stream.indirect_vreg.gather [hbm4b:s6+s3], $0x80, v2, vm0, $0xb8;
	[tilespmem:$0x18200] =	vst v63  }
0x8e: {  	s23 =	simm.s32 $0x15A00;
	s0 =	sand.u32 $0x3F, s0  }
0x8f: {  	[tilespmem:s23], [sflag:$0x6] =	stream.indirect_vreg.gather [hbm4b:s7+s3], $0x80, v2, vm0, $0xb8;
	[tilespmem:$0x18200] =	vst v63  }
0x90: {  	s24 =	simm.s32 $0x16200;
	s0 =	smul.u32 $0x6, s0  }
0x91: {  	[tilespmem:s24], [sflag:$0x6] =	stream.indirect_vreg.gather [hbm4b:s8+s3], $0x80, v2, vm0, $0xb8;
	[tilespmem:$0x18200] =	vst v63  }
0x92: {  	s25 =	simm.s32 $0x16A00;
	s0 =	ssub.s32 $0x0, s0  }
0x93: {  	[tilespmem:s25], [sflag:$0x6] =	stream.indirect_vreg.gather [hbm4b:s9+s3], $0x80, v2, vm0, $0xb8;
	[tilespmem:$0x18200] =	vst v63  }
0x94: {  	s0 =	sand.u32 $0xFF, s0  }
0x95: {  	[tilespmem:s29], [sflag:$0x6] =	stream.indirect_vreg.gather [hbm4b:s10+s3], $0x80, v2, vm0, $0xb8;
	[tilespmem:$0x18200] =	vst v63  }
0x96: {  	s17 =	sadd.s32 $0x1, s0  }
0x97: {  	[tilespmem:s30], [sflag:$0x6] =	stream.indirect_vreg.gather [hbm4b:s11+s3], $0x80, v2, vm0, $0xb8;
	[tilespmem:$0x18200] =	vst v63  }
0x98: {  	_ =	swait.ge [sflag:s17], $0x4000  }
0x99: {  	s18 =	sshll.u32 s0, $0xE;
	[sflag:s17] =	ssyncset.done $0x0  }
0x9a: {  	s0 =	sor.u32 $0x200, s18;
	[sflag:s17] =	ssyncadd.s32 $0xFFFFC000  }
0x9b: {  	[hbm4b:s13+s3] =	stream.linear.scatter [tilespmem:s0], [sflag:$0x7], $0x4000, $0x38;
	[tilespmem:$0x18200] =	vst v63  }
0x9c: {  	_ =	swait.ge [sflag:s16], $0x4000  }
0x9d: {  	[sflag:s16] =	ssyncset.done $0x0  }
0x9e: {  	p0 =	por $0x0, $0x0;
	s1 =	simm.s32 $0x30;
	[sflag:s16] =	ssyncadd.s32 $0xFFFFC000  }
0x9f: {  	v2 =	vld.msk @!p0 [tilespmem:s1+$0x0], $0xff;
	_ =	sdelay $0x4  }
0xa0: {  	v3 =	vshll.u32 @!p0 v2, $0x4  }
0xa1: {  	v4 =	vlaneseq.u32 @!p0;
	v2 =	vand.u32 @!p0 $0x7, v2;
	v3 =	vand.u32 @!p0 $0xFFFFFF80, v3  }
0xa2: {  	v5 =	vand.u32 @!p0 $0x7, v4;
	v4 =	vshrl.u32 @!p0 v4, $0x3;
	v2 =	vor.u32 @!p0 v2, v3  }
0xa3: {  	v3 =	vmul.u32 @!p0 $0x8, v4;
	v2 =	vperm.xlane @!p0 v2, v5;
	_ =	sdelay $0x1  }
0xa4: {  	v2 =	vadd.s32 @!p0 v3, v2;
	_ =	sdelay $0x3  }
0xa5: {  	vm1 =	vmmov @!p0 $0xffff;
	s14 =	sadd.s32 @!p0 $0x1200, s18;
	s19 =	simm.s32 $0x1;
	s23 =	simm.s32 @!p0 $0x0  }
0xa6: {  	[tilespmem:s0], [sflag:s17] =	stream.indirect_vreg.gather @!p0 [hbm4b:s2+s23], $0x80, v2, vm1, $0xb8;
	[tilespmem:$0x18200] =	vst v63  }
0xa7: {  	s28 =	smul.u32 $0xAB, s19;
	s20 =	simm.s32 $0x38;
	s0 =	sadd.s32 @!p0 $0xA00, s18  }
0xa8: {  	[tilespmem:s0], [sflag:s17] =	stream.indirect_vreg.gather @!p0 [hbm4b:s5+s23], $0x80, v2, vm1, $0xb8;
	[tilespmem:$0x18200] =	vst v63  }
0xa9: {  	s21 =	sadd.s32 $0x800, s13;
	s22 =	simm.s32 $0x3;
	s1 =	sshrl.u32 s28, $0xA  }
0xaa: {  	[tilespmem:s14], [sflag:s17] =	stream.indirect_vreg.gather @!p0 [hbm4b:s6+s23], $0x80, v2, vm1, $0xb8;
	[tilespmem:$0x18200] =	vst v63  }
0xab: {  	s25 =	sadd.s32 @!p0 $0x2200, s18;
	s24 =	sand.u32 $0x3F, s1;
	s14 =	sadd.s32 @!p0 $0x1A00, s18  }
0xac: {  	[tilespmem:s14], [sflag:s17] =	stream.indirect_vreg.gather @!p0 [hbm4b:s7+s23], $0x80, v2, vm1, $0xb8;
	[tilespmem:$0x18200] =	vst v63  }
0xad: {  	s1 =	simm.s32 $0x40;
	s0 =	simm.s32 $0x2;
	s14 =	sadd.s32 $0x800, s21  }
.LBB2_2:
0xae: {  	[tilespmem:s25], [sflag:s17] =	stream.indirect_vreg.gather @!p0 [hbm4b:s8+s23], $0x80, v2, vm1, $0xb8;
	[tilespmem:$0x18200] =	vst v63  }
0xaf: {  	s25 =	smov.u32 s22  }
0xb0: {  	s22 =	sadd.s32 $0x1, s22;
	s24 =	smul.u32 $0x6, s24;
	s26 =	sadd.s32 @!p0 $0x2A00, s18  }
0xb1: {  	[tilespmem:s26], [sflag:s17] =	stream.indirect_vreg.gather @!p0 [hbm4b:s9+s23], $0x80, v2, vm1, $0xb8;
	[tilespmem:$0x18200] =	vst v63  }
0xb2: {  	p1 =	sne.s32 s22, $0x40;
	s24 =	ssub.s32 s19, s24;
	s26 =	sadd.s32 @!p0 $0x3200, s18  }
0xb3: {  	s28 =	sadd.s32 @!p0 $0x3A00, s18;
	s24 =	sand.u32 $0xFF, s24  }
0xb4: {  	[tilespmem:s26], [sflag:s17] =	stream.indirect_vreg.gather @!p0 [hbm4b:s10+s23], $0x80, v2, vm1, $0xb8;
	[tilespmem:$0x18200] =	vst v63  }
0xb5: {  	s18 =	sshll.u32 s24, $0xE;
	s24 =	sadd.s32 $0x1, s24  }
0xb6: {  	[tilespmem:s28], [sflag:s17] =	stream.indirect_vreg.gather @!p0 [hbm4b:s11+s23], $0x80, v2, vm1, $0xb8;
	[tilespmem:$0x18200] =	vst v63  }
0xb7: {  	s17 =	smov.u32 s24;
	_ =	swait.ge [sflag:s24], $0x4000  }
0xb8: {  	[sflag:s17] =	ssyncset.done $0x0  }
0xb9: {  	s24 =	sor.u32 $0x200, s18;
	[sflag:s17] =	ssyncadd.s32 $0xFFFFC000  }
0xba: {  	[hbm4b:s21+s3] =	stream.linear.scatter [tilespmem:s24], [sflag:$0x7], $0x4000, $0x38;
	[tilespmem:$0x18200] =	vst v63  }
0xbb: {  	s21 =	smov.u32 s14;
	_ =	swait.ge [sflag:s16], $0x4000  }
0xbc: {  	[sflag:s16] =	ssyncset.done $0x0  }
0xbd: {  	p0 =	sgt.u32 s19, $0x39;
	s19 =	smov.u32 s0;
	[sflag:s16] =	ssyncadd.s32 $0xFFFFC000  }
0xbe: {  	s0 =	smov.u32 s25;
	v3 =	vlaneseq.u32 @!p0;
	v2 =	vld.msk @!p0 [tilespmem:s20+$0x0], $0xff;
	s20 =	smov.u32 s1  }
0xbf: {  	v4 =	vand.u32 @!p0 $0x7, v3;
	v3 =	vshrl.u32 @!p0 v3, $0x3  }
0xc0: {  	v3 =	vmul.u32 @!p0 $0x8, v3;
	_ =	sdelay $0x2  }
0xc1: {  	v5 =	vshll.u32 @!p0 v2, $0x4  }
0xc2: {  	v2 =	vand.u32 @!p0 $0x7, v2;
	v5 =	vand.u32 @!p0 $0xFFFFFF80, v5  }
0xc3: {  	v2 =	vor.u32 @!p0 v2, v5  }
0xc4: {  	v2 =	vperm.xlane @!p0 v2, v4;
	_ =	sdelay $0x1  }
0xc5: {  	v2 =	vadd.s32 @!p0 v3, v2;
	_ =	sdelay $0x3  }
0xc6: {  	vm1 =	vmmov @!p0 $0xffff;
	s23 =	simm.s32 @!p0 $0x0  }
0xc7: {  	[tilespmem:s24], [sflag:s17] =	stream.indirect_vreg.gather @!p0 [hbm4b:s2+s23], $0x80, v2, vm1, $0xb8;
	[tilespmem:$0x18200] =	vst v63  }
0xc8: {  	s25 =	sadd.s32 @!p0 $0xA00, s18;
	s24 =	smul.u32 $0xAB, s19  }
0xc9: {  	[tilespmem:s25], [sflag:s17] =	stream.indirect_vreg.gather @!p0 [hbm4b:s5+s23], $0x80, v2, vm1, $0xb8;
	[tilespmem:$0x18200] =	vst v63  }
.Ltmp0:
0xca: {  	s24 =	sshrl.u32 s24, $0xA;
	s25 =	sadd.s32 @!p0 $0x1200, s18;
	(pc) =	sbr.rel @p1 .LBB2_2-.Ltmp0, $4  }
0xcb: {  	[tilespmem:s25], [sflag:s17] =	stream.indirect_vreg.gather @!p0 [hbm4b:s6+s23], $0x80, v2, vm1, $0xb8;
	[tilespmem:$0x18200] =	vst v63  }
0xcc: {  	s24 =	sand.u32 $0x3F, s24;
	s25 =	sadd.s32 @!p0 $0x1A00, s18  }
0xcd: {  	[tilespmem:s25], [sflag:s17] =	stream.indirect_vreg.gather @!p0 [hbm4b:s7+s23], $0x80, v2, vm1, $0xb8;
	[tilespmem:$0x18200] =	vst v63  }
0xce: {  	s14 =	sadd.s32 $0x800, s14;
	s1 =	sadd.s32 $0x8, s1;
	s25 =	sadd.s32 @!p0 $0x2200, s18  }
0xcf: {  	_ =	sdelay $0x3  }
0xd0: {  	[tilespmem:s25], [sflag:s17] =	stream.indirect_vreg.gather @!p0 [hbm4b:s8+s23], $0x80, v2, vm1, $0xb8;
	[tilespmem:$0x18200] =	vst v63  }
0xd1: {  	s22 =	smul.u32 $0x6, s24;
	s24 =	sadd.s32 @!p0 $0x2A00, s18  }
0xd2: {  	[tilespmem:s24], [sflag:s17] =	stream.indirect_vreg.gather @!p0 [hbm4b:s9+s23], $0x80, v2, vm1, $0xb8;
	[tilespmem:$0x18200] =	vst v63  }
0xd3: {  	s22 =	ssub.s32 s19, s22  }
0xd4: {  	s24 =	sadd.s32 @!p0 $0x3200, s18;
	s22 =	sand.u32 $0xFF, s22  }
0xd5: {  	[tilespmem:s24], [sflag:s17] =	stream.indirect_vreg.gather @!p0 [hbm4b:s10+s23], $0x80, v2, vm1, $0xb8;
	[tilespmem:$0x18200] =	vst v63  }
0xd6: {  	s18 =	sadd.s32 @!p0 $0x3A00, s18;
	s24 =	sadd.s32 $0x1, s22  }
0xd7: {  	[tilespmem:s18], [sflag:s17] =	stream.indirect_vreg.gather @!p0 [hbm4b:s11+s23], $0x80, v2, vm1, $0xb8;
	[tilespmem:$0x18200] =	vst v63  }
0xd8: {  	_ =	swait.ge [sflag:s24], $0x4000  }
0xd9: {  	s17 =	sshll.u32 s22, $0xE;
	[sflag:s24] =	ssyncset.done $0x0  }
0xda: {  	s18 =	sor.u32 $0x200, s17;
	[sflag:s24] =	ssyncadd.s32 $0xFFFFC000  }
0xdb: {  	[hbm4b:s21+s3] =	stream.linear.scatter [tilespmem:s18], [sflag:$0x7], $0x4000, $0x38;
	[tilespmem:$0x18200] =	vst v63  }
0xdc: {  	_ =	swait.ge [sflag:s16], $0x4000  }
0xdd: {  	[sflag:s16] =	ssyncset.done $0x0  }
0xde: {  	p0 =	sgt.u32 s19, $0x39;
	[sflag:s16] =	ssyncadd.s32 $0xFFFFC000  }
0xdf: {  	v2 =	vld.msk @!p0 [tilespmem:s20+$0x0], $0xff;
	_ =	sdelay $0x4  }
0xe0: {  	v3 =	vshll.u32 @!p0 v2, $0x4  }
0xe1: {  	v4 =	vlaneseq.u32 @!p0;
	v2 =	vand.u32 @!p0 $0x7, v2;
	v3 =	vand.u32 @!p0 $0xFFFFFF80, v3  }
0xe2: {  	v5 =	vand.u32 @!p0 $0x7, v4;
	v4 =	vshrl.u32 @!p0 v4, $0x3;
	v2 =	vor.u32 @!p0 v2, v3  }
0xe3: {  	v3 =	vmul.u32 @!p0 $0x8, v4;
	v2 =	vperm.xlane @!p0 v2, v5;
	_ =	sdelay $0x1  }
0xe4: {  	v2 =	vadd.s32 @!p0 v3, v2;
	_ =	sdelay $0x3  }
0xe5: {  	vm1 =	vmmov @!p0 $0xffff;
	s19 =	simm.s32 @!p0 $0x0  }
0xe6: {  	[tilespmem:s18], [sflag:s24] =	stream.indirect_vreg.gather @!p0 [hbm4b:s2+s19], $0x80, v2, vm1, $0xb8;
	[tilespmem:$0x18200] =	vst v63  }
0xe7: {  	s28 =	smul.u32 $0xAB, s0;
	s18 =	sadd.s32 @!p0 $0xA00, s17  }
0xe8: {  	[tilespmem:s18], [sflag:s24] =	stream.indirect_vreg.gather @!p0 [hbm4b:s5+s19], $0x80, v2, vm1, $0xb8;
	[tilespmem:$0x18200] =	vst v63  }
0xe9: {  	s20 =	sadd.s32 @!p0 $0x1200, s17;
	s18 =	sshrl.u32 s28, $0xA  }
0xea: {  	[tilespmem:s20], [sflag:s24] =	stream.indirect_vreg.gather @!p0 [hbm4b:s6+s19], $0x80, v2, vm1, $0xb8;
	[tilespmem:$0x18200] =	vst v63  }
0xeb: {  	s18 =	sand.u32 $0x3F, s18;
	s20 =	sadd.s32 @!p0 $0x1A00, s17  }
0xec: {  	[tilespmem:s20], [sflag:s24] =	stream.indirect_vreg.gather @!p0 [hbm4b:s7+s19], $0x80, v2, vm1, $0xb8;
	[tilespmem:$0x18200] =	vst v63  }
0xed: {  	s18 =	smul.u32 $0x6, s18;
	s20 =	sadd.s32 @!p0 $0x2200, s17  }
0xee: {  	[tilespmem:s20], [sflag:s24] =	stream.indirect_vreg.gather @!p0 [hbm4b:s8+s19], $0x80, v2, vm1, $0xb8;
	[tilespmem:$0x18200] =	vst v63  }
0xef: {  	s18 =	ssub.s32 s0, s18;
	s20 =	sadd.s32 @!p0 $0x2A00, s17  }
0xf0: {  	[tilespmem:s20], [sflag:s24] =	stream.indirect_vreg.gather @!p0 [hbm4b:s9+s19], $0x80, v2, vm1, $0xb8;
	[tilespmem:$0x18200] =	vst v63  }
0xf1: {  	s18 =	sand.u32 $0xFF, s18;
	s20 =	sadd.s32 @!p0 $0x3200, s17  }
0xf2: {  	[tilespmem:s20], [sflag:s24] =	stream.indirect_vreg.gather @!p0 [hbm4b:s10+s19], $0x80, v2, vm1, $0xb8;
	[tilespmem:$0x18200] =	vst v63  }
0xf3: {  	s17 =	sadd.s32 @!p0 $0x3A00, s17;
	s20 =	sadd.s32 $0x1, s18  }
0xf4: {  	[tilespmem:s17], [sflag:s24] =	stream.indirect_vreg.gather @!p0 [hbm4b:s11+s19], $0x80, v2, vm1, $0xb8;
	[tilespmem:$0x18200] =	vst v63  }
0xf5: {  	_ =	swait.ge [sflag:s20], $0x4000  }
0xf6: {  	s17 =	sshll.u32 s18, $0xE;
	[sflag:s20] =	ssyncset.done $0x0  }
0xf7: {  	s18 =	sor.u32 $0x200, s17;
	[sflag:s20] =	ssyncadd.s32 $0xFFFFC000  }
0xf8: {  	[hbm4b:s14+s3] =	stream.linear.scatter [tilespmem:s18], [sflag:$0x7], $0x4000, $0x38;
	[tilespmem:$0x18200] =	vst v63  }
0xf9: {  	_ =	swait.ge [sflag:s16], $0x4000  }
0xfa: {  	[sflag:s16] =	ssyncset.done $0x0  }
0xfb: {  	p0 =	sgt.u32 s0, $0x39;
	[sflag:s16] =	ssyncadd.s32 $0xFFFFC000  }
0xfc: {  	v2 =	vld.msk @!p0 [tilespmem:s1+$0x0], $0xff;
	_ =	sdelay $0x4  }
0xfd: {  	v3 =	vshll.u32 @!p0 v2, $0x4  }
0xfe: {  	v4 =	vlaneseq.u32 @!p0;
	v2 =	vand.u32 @!p0 $0x7, v2;
	v3 =	vand.u32 @!p0 $0xFFFFFF80, v3  }
0xff: {  	v5 =	vand.u32 @!p0 $0x7, v4;
	v4 =	vshrl.u32 @!p0 v4, $0x3;
	v2 =	vor.u32 @!p0 v2, v3  }
0x100: {  	v3 =	vmul.u32 @!p0 $0x8, v4;
	v2 =	vperm.xlane @!p0 v2, v5;
	_ =	sdelay $0x1  }
0x101: {  	v2 =	vadd.s32 @!p0 v3, v2;
	_ =	sdelay $0x3  }
0x102: {  	vm1 =	vmmov @!p0 $0xffff;
	s0 =	simm.s32 @!p0 $0x0  }
0x103: {  	[tilespmem:s18], [sflag:s20] =	stream.indirect_vreg.gather @!p0 [hbm4b:s2+s0], $0x80, v2, vm1, $0xb8;
	[tilespmem:$0x18200] =	vst v63  }
0x104: {  	s1 =	sadd.s32 @!p0 $0xA00, s17  }
0x105: {  	[tilespmem:s1], [sflag:s20] =	stream.indirect_vreg.gather @!p0 [hbm4b:s5+s0], $0x80, v2, vm1, $0xb8;
	[tilespmem:$0x18200] =	vst v63  }
0x106: {  	s1 =	sadd.s32 @!p0 $0x1200, s17  }
0x107: {  	[tilespmem:s1], [sflag:s20] =	stream.indirect_vreg.gather @!p0 [hbm4b:s6+s0], $0x80, v2, vm1, $0xb8;
	[tilespmem:$0x18200] =	vst v63  }
0x108: {  	s1 =	sadd.s32 @!p0 $0x1A00, s17  }
0x109: {  	[tilespmem:s1], [sflag:s20] =	stream.indirect_vreg.gather @!p0 [hbm4b:s7+s0], $0x80, v2, vm1, $0xb8;
	[tilespmem:$0x18200] =	vst v63  }
0x10a: {  	s1 =	sadd.s32 @!p0 $0x2200, s17  }
0x10b: {  	[tilespmem:s1], [sflag:s20] =	stream.indirect_vreg.gather @!p0 [hbm4b:s8+s0], $0x80, v2, vm1, $0xb8;
	[tilespmem:$0x18200] =	vst v63  }
0x10c: {  	s1 =	sadd.s32 @!p0 $0x2A00, s17  }
0x10d: {  	[tilespmem:s1], [sflag:s20] =	stream.indirect_vreg.gather @!p0 [hbm4b:s9+s0], $0x80, v2, vm1, $0xb8;
	[tilespmem:$0x18200] =	vst v63  }
0x10e: {  	s1 =	sadd.s32 @!p0 $0x3200, s17  }
0x10f: {  	[tilespmem:s1], [sflag:s20] =	stream.indirect_vreg.gather @!p0 [hbm4b:s10+s0], $0x80, v2, vm1, $0xb8;
	[tilespmem:$0x18200] =	vst v63  }
0x110: {  	s31 =	sadd.s32 $0x1, s31;
	s1 =	sadd.s32 @!p0 $0x3A00, s17  }
0x111: {  	[tilespmem:s1], [sflag:s20] =	stream.indirect_vreg.gather @!p0 [hbm4b:s11+s0], $0x80, v2, vm1, $0xb8;
	[tilespmem:$0x18200] =	vst v63  }
0x112: {  	p0 =	sne.s32 s31, s12  }
.Ltmp1:
0x113: {  	_ = 	snop;
	(pc) =	sbr.rel @p0 .LBB2_1-.Ltmp1, $1  }
0x114: {  	_ =	sdelay $0x3  }
0x115: {  	_ =	sfence.sel $0x180000  }
0x116: {  	[bflag:$0x0] =	sbarrier.arrive $0xFFFF  }
0x117: {  	_ =	strace $0x90000047  }
0x118: {  	s0 =	stileid.u32;
	[bflag:$0x2] =	sbarrier.arrive $0xFFFF  }
0x119: {  	p0 =	sne.s32 s0, $0x0;
	s0 =	rddreg [dreg:$0x3]  }
0x11a: {  	s0 =	sadd.s32 @!p0 $0x100000, s0  }
0x11b: {  	[sflag:s0] =	ssyncadd.tile.s32 @!p0 $0x1;
	_ =	shalt  }
.Lfunc_end2:
_tile_overlayer_lowered:
.L_overlay_start_2:
0x11c: {  	(tag) =	ssettag $0x2  }
0x11d: {  	s0 =	rddreg [dreg:$0x0];
	s2 =	stileid.u32  }
0x11e: {  	s1 =	rddreg [dreg:$0x1];
	p0 =	sne.s32 s2, $0x0  }
0x11f: {  	s3 =	rddreg [dreg:$0x2];
	[bflag:$0x3] =	sbarrier.arrive $0xFFFF;
	s2 =	simm.s32 @!p0 $0x1C07  }
0x120: {  	[timem:s3], [sflag:s2] =	dma.local @!p0 [hbm:s0], s1  }
0x121: {  	s0 =	simm.s32 @!p0 $0x7  }
0x122: {  	_ =	swait.ge @!p0 [sflag:s0], s1  }
0x123: {  	s1 =	ssub.s32 @!p0 $0x0, s1;
	[sflag:s0] =	ssyncset.done @!p0 $0x0  }
0x124: {  	[sflag:s0] =	ssyncadd.s32 @!p0 s1  }
0x125: {  	[bflag:$0x3] =	sbarrier.arrive $0xFFFF  }
0x126: {  	_ =	shalt  }

</sc_bundles>
